<compile_context>
chip_gen: v7x
topology: tpu7x:2x2x1
jax: 0.10.2.dev20260603
libtpu: 0.0.44.dev20260713+nightly
codegen_flags: <defaults>
</compile_context>

<pallas_src>
import functools

import numpy as np
import jax
import jax.numpy as jnp
from jax import lax
from jax.experimental import pallas as pl
from jax.experimental.pallas import tpu as pltpu
from jax.experimental.pallas import tpu_sc as plsc

B = 4096
NF = 26
V = 100000
D = 64
NI = NF + 1
TB = 256

_LI = np.array([i for i in range(NI) for j in range(i)])
_LJ = np.array([j for i in range(NI) for j in range(i)])


def _sc_gather(tables, lS_i):
    info = plsc.get_sparse_core_info()
    nc, ns = info.num_cores, info.num_subcores
    nw = nc * ns
    cb = B // nw
    mesh = plsc.VectorSubcoreMesh(core_axis_name="c", subcore_axis_name="s")

    @functools.partial(
        pl.kernel,
        mesh=mesh,
        out_type=jax.ShapeDtypeStruct((NF, B, D), jnp.float32),
        scratch_types=[
            pltpu.VMEM((cb,), jnp.int32),
            pltpu.VMEM((cb, D), jnp.float32),
            pltpu.SemaphoreType.DMA,
        ],
        compiler_params=pltpu.CompilerParams(use_tc_tiling_on_sc=False),
    )
    def k(tab_hbm, idx_hbm, out_hbm, idx_v, rows_v, sem):
        wid = lax.axis_index("s") * nc + lax.axis_index("c")
        base = wid * cb

        def body(f, carry):
            pltpu.sync_copy(idx_hbm.at[f, pl.ds(base, cb)], idx_v)
            pltpu.async_copy(tab_hbm.at[f].at[idx_v], rows_v, sem).wait()
            pltpu.sync_copy(rows_v, out_hbm.at[f, pl.ds(base, cb)])
            return carry

        lax.fori_loop(0, NF, body, 0)

    return k(tables, lS_i)


def _tc_body(dx_ref, ly_ref, WbT0, WbT1, WbT2, bb0, bb1, bb2,
             Wt0xT, WpairT, bt0, Wt1T, bt1, Wt2T, bt2, out_ref):
    f32 = jnp.float32
    dot = functools.partial(jnp.dot, preferred_element_type=f32)
    x = jnp.maximum(dot(dx_ref[...], WbT0[...]) + bb0[...], 0.0)
    x = jnp.maximum(dot(x, WbT1[...]) + bb1[...], 0.0)
    x = jnp.maximum(dot(x, WbT2[...]) + bb2[...], 0.0)
    T2 = jnp.concatenate([x[None], ly_ref[...]], axis=0)
    Z = lax.dot_general(T2, T2, (((2,), (2,)), ((1,), (1,))),
                        preferred_element_type=f32)
    Zf = Z.reshape(TB, NI * NI)
    z = dot(x, Wt0xT[...]) + dot(Zf, WpairT[...]) + bt0[...]
    z = jnp.maximum(z, 0.0)
    z = jnp.maximum(dot(z, Wt1T[...]) + bt1[...], 0.0)
    z = dot(z, Wt2T[...]) + bt2[...]
    out_ref[...] = 1.0 / (1.0 + jnp.exp(-z))


def _tc_fused(dx, ly, *weights):
    n_tiles = B // TB

    def full(a):
        return pl.BlockSpec(a.shape, lambda i: (0,) * a.ndim)

    in_specs = [
        pl.BlockSpec((TB, 13), lambda i: (i, 0)),
        pl.BlockSpec((NF, TB, D), lambda i: (0, i, 0)),
    ] + [full(w) for w in weights]

    return pl.pallas_call(
        _tc_body,
        grid=(n_tiles,),
        in_specs=in_specs,
        out_specs=pl.BlockSpec((TB, 1), lambda i: (i, 0)),
        out_shape=jax.ShapeDtypeStruct((B, 1), jnp.float32),
        compiler_params=pltpu.CompilerParams(
            dimension_semantics=("arbitrary",),
        ),
    )(dx, ly, *weights)


def kernel(dense_x, lS_o, lS_i, tables, Wb0, bb0, Wb1, bb1, Wb2, bb2,
           Wt0, bt0, Wt1, bt1, Wt2, bt2):
    del lS_o
    ly = _sc_gather(tables, lS_i)

    WpairT = jnp.zeros((NI * NI, 512), jnp.float32).at[_LI * NI + _LJ, :].set(
        Wt0[:, D:].T)
    return _tc_fused(
        dense_x, ly,
        Wb0.T, Wb1.T, Wb2.T,
        bb0[None, :], bb1[None, :], bb2[None, :],
        Wt0[:, :D].T, WpairT, bt0[None, :],
        Wt1.T, bt1[None, :], Wt2.T, bt2[None, :],
    )

# --- scband reference (transcript-rebuilt; emitter-appended) ---
"""Pipeline reference for scband-dlrm-net-26474178413218 (READ-ONLY COPY).

The authoritative reference and input builder live on the scoring server;
editing this copy changes nothing except your own understanding.
"""

import jax, jax.numpy as jnp
import numpy as np

B = 4096
NF = 26
V = 100000
D = 64
DENSE = 13
LN_BOT = [13, 512, 256, 64]
LN_TOP = [415, 512, 256, 1]


def _mlp_params(key, ln):
    params = []
    for i in range(len(ln) - 1):
        n, m = ln[i], ln[i + 1]
        key, k1, k2 = jax.random.split(key, 3)
        W = jax.random.normal(k1, (m, n), dtype=jnp.float32) * np.sqrt(2.0 / (m + n))
        b = jax.random.normal(k2, (m,), dtype=jnp.float32) * np.sqrt(1.0 / m)
        params += [W, b]
    return params


def setup_inputs(seed: int = 0):
    key = jax.random.key(seed)
    k0, k1, k2, k3, k4 = jax.random.split(key, 5)
    dense_x = jax.random.normal(k0, (B, DENSE), dtype=jnp.float32)
    lS_i = jax.random.randint(k1, (NF, B), 0, V, dtype=jnp.int32)
    lS_o = jnp.arange(NF * B, dtype=jnp.int32).reshape(NF, B)
    tables = jax.random.uniform(k2, (NF, V, D), dtype=jnp.float32, minval=-np.sqrt(1.0 / V), maxval=np.sqrt(1.0 / V))
    bot = _mlp_params(k3, LN_BOT)
    top = _mlp_params(k4, LN_TOP)
    inp = {"dense_x": dense_x, "lS_o": lS_o, "lS_i": lS_i, "tables": tables}
    inp.update(dict(zip(["Wb0", "bb0", "Wb1", "bb1", "Wb2", "bb2"], bot)))
    inp.update(dict(zip(["Wt0", "bt0", "Wt1", "bt1", "Wt2", "bt2"], top)))
    return inp


def _emb_bag(table, idx, offs):
    # EmbeddingBag(mode='sum'): offsets delimit bags over the flat index array.
    offs0 = offs - offs[0]
    seg = jnp.searchsorted(offs0, jnp.arange(idx.shape[0]), side='right') - 1
    return jax.ops.segment_sum(jnp.take(table, idx, axis=0), seg, num_segments=offs0.shape[0])


def _forward(dense_x, tables, Wb0, bb0, Wb1, bb1, Wb2, bb2, Wt0, bt0, Wt1, bt1, Wt2, bt2, lS_o, lS_i):
    # bottom MLP (sigmoid_bot=-1 -> all ReLU)
    x = jax.nn.relu(dense_x @ Wb0.T + bb0)
    x = jax.nn.relu(x @ Wb1.T + bb1)
    x = jax.nn.relu(x @ Wb2.T + bb2)
    # embedding bags, one per sparse field
    ly = jax.vmap(_emb_bag)(tables, lS_i, lS_o)  # (NF, B, D)
    # dot interaction
    T = jnp.concatenate([x[None, :, :], ly], axis=0).transpose(1, 0, 2)  # (B, NF+1, D)
    Z = jnp.einsum('bnd,bmd->bnm', T, T)
    ni = NF + 1
    li = np.array([i for i in range(ni) for j in range(i)])
    lj = np.array([j for i in range(ni) for j in range(i)])
    Zflat = Z[:, li, lj]
    R = jnp.concatenate([x, Zflat], axis=1)  # (B, 64 + 351) = (B, 415)
    # top MLP (sigmoid_top=2 -> ReLU, ReLU, Sigmoid)
    z = jax.nn.relu(R @ Wt0.T + bt0)
    z = jax.nn.relu(z @ Wt1.T + bt1)
    p = jax.nn.sigmoid(z @ Wt2.T + bt2)
    return p


def reference(dense_x, lS_o, lS_i, tables, Wb0, bb0, Wb1, bb1, Wb2, bb2, Wt0, bt0, Wt1, bt1, Wt2, bt2):
    return _forward(dense_x, tables, Wb0, bb0, Wb1, bb1, Wb2, bb2, Wt0, bt0, Wt1, bt1, Wt2, bt2, lS_o, lS_i)

if __name__ == "__main__":
    import jax
    _d = setup_inputs()
    print(jax.jit(kernel)(*tuple(_d.values())))

</pallas_src>

<mosaic_0001>
#map = affine_map<(d0, d1) -> (0, 0, 0)>
#map1 = affine_map<(d0, d1) -> (0, 0)>
module attributes {stable_mosaic.version = 14 : i64} {
  func.func @k(%arg0: i32, %arg1: i32, %arg2: memref<26x100000x64xf32, #tpu.memory_space<hbm>>, %arg3: memref<26x4096xi32, #tpu.memory_space<hbm>>, %arg4: memref<26x4096x64xf32, #tpu.memory_space<hbm>>, %arg5: memref<128xi32, #tpu.memory_space<vmem>>, %arg6: memref<128x64xf32, #tpu.memory_space<vmem>>, %arg7: memref<!tpu.dma_semaphore, #tpu.memory_space<semaphore_mem>>) attributes {dimension_semantics = [#tpu.dimension_semantics<core_parallel>, #tpu.dimension_semantics<subcore_parallel>], iteration_bounds = array<i64: 2, 16>, scalar_prefetch = 0 : i64, scratch_operands = 3 : i64, tpu.core_type = #tpu.core_type<sc_vector_subcore>, window_params = [{transform_indices = #map}, {transform_indices = #map1}, {transform_indices = #map}]} {
    %mul3A = arith.constant 2 : i32
    %mul3A_0 = arith.muli %arg1, %mul3A : i32
    %add3A = arith.addi %mul3A_0, %arg0 : i32
    %mul3A_1 = arith.constant 128 : i32
    %mul3A_2 = arith.muli %add3A, %mul3A_1 : i32
    %scan3A = arith.constant 0 : i32
    %scan3A_3 = arith.constant 0 : i32
    %scan3A_4 = arith.constant 26 : i32
    %scan3A_5 = arith.addi %scan3A_3, %scan3A_4 : i32
    %scan3A_6 = arith.constant 1 : i32
    scf.for %scan3A_8 = %scan3A_3 to %scan3A_5 step %scan3A_6  : i32 {
      "tpu.region"() ({
        %run_scoped3A = tpu.sem_alloc : memref<!tpu.dma_semaphore, #tpu.memory_space<semaphore_mem>>
        %dma_start3A_21 = tpu.memref_slice %arg3[%scan3A_8, %mul3A_2] : memref<26x4096xi32, #tpu.memory_space<hbm>> -> memref<1x128xi32, #tpu.memory_space<hbm>>
        %dma_start3A_22 = tpu.memref_squeeze %dma_start3A_21 : memref<1x128xi32, #tpu.memory_space<hbm>> -> memref<128xi32, #tpu.memory_space<hbm>>
        %dma_start3A_23 = tpu.memref_slice %arg3[%scan3A_8, %mul3A_2] : memref<26x4096xi32, #tpu.memory_space<hbm>> -> memref<1x128xi32, #tpu.memory_space<hbm>>
        %dma_start3A_24 = tpu.memref_squeeze %dma_start3A_23 : memref<1x128xi32, #tpu.memory_space<hbm>> -> memref<128xi32, #tpu.memory_space<hbm>>
        tpu.enqueue_dma source(%dma_start3A_24 : memref<128xi32, #tpu.memory_space<hbm>>) target(%arg5 : memref<128xi32, #tpu.memory_space<vmem>>) target_semaphore(%run_scoped3A : memref<!tpu.dma_semaphore, #tpu.memory_space<semaphore_mem>>)
        %dma_wait3A_25 = tpu.memref_slice %arg3[%scan3A_8, %mul3A_2] : memref<26x4096xi32, #tpu.memory_space<hbm>> -> memref<1x128xi32, #tpu.memory_space<hbm>>
        %dma_wait3A_26 = tpu.memref_squeeze %dma_wait3A_25 : memref<1x128xi32, #tpu.memory_space<hbm>> -> memref<128xi32, #tpu.memory_space<hbm>>
        %dma_wait3A_27 = tpu.memref_slice %arg3[%scan3A_8, %mul3A_2] : memref<26x4096xi32, #tpu.memory_space<hbm>> -> memref<1x128xi32, #tpu.memory_space<hbm>>
        %dma_wait3A_28 = tpu.memref_squeeze %dma_wait3A_27 : memref<1x128xi32, #tpu.memory_space<hbm>> -> memref<128xi32, #tpu.memory_space<hbm>>
        tpu.wait_dma2 semaphore(%run_scoped3A : memref<!tpu.dma_semaphore, #tpu.memory_space<semaphore_mem>>) src(%dma_wait3A_28 : memref<128xi32, #tpu.memory_space<hbm>>) dst(%arg5 : memref<128xi32, #tpu.memory_space<vmem>>)
        tpu.yield
      }) : () -> ()
      %dma_start3A = arith.constant 0 : i32
      %dma_start3A_9 = arith.constant 0 : i32
      %dma_start3A_10 = tpu.memref_slice %arg2[%scan3A_8, %dma_start3A, %dma_start3A_9] : memref<26x100000x64xf32, #tpu.memory_space<hbm>> -> memref<1x100000x64xf32, #tpu.memory_space<hbm>>
      %dma_start3A_11 = tpu.memref_squeeze %dma_start3A_10 : memref<1x100000x64xf32, #tpu.memory_space<hbm>> -> memref<100000x64xf32, #tpu.memory_space<hbm>>
      %dma_start3A_12 = arith.constant 0 : i32
      %dma_start3A_13 = arith.constant 0 : i32
      %dma_start3A_14 = tpu.memref_slice %dma_start3A_11[%dma_start3A_12, %dma_start3A_13] : memref<100000x64xf32, #tpu.memory_space<hbm>> -> memref<100000x64xf32, #tpu.memory_space<hbm>>
      tpu.enqueue_indirect_dma source(%dma_start3A_14 : memref<100000x64xf32, #tpu.memory_space<hbm>>) target(%arg6 : memref<128x64xf32, #tpu.memory_space<vmem>>) offsets(%arg5 : memref<128xi32, #tpu.memory_space<vmem>>) semaphore(%arg7 : memref<!tpu.dma_semaphore, #tpu.memory_space<semaphore_mem>>)
      %dma_wait3A = arith.constant 0 : i32
      %dma_wait3A_15 = arith.constant 0 : i32
      %dma_wait3A_16 = tpu.memref_slice %arg2[%scan3A_8, %dma_wait3A, %dma_wait3A_15] : memref<26x100000x64xf32, #tpu.memory_space<hbm>> -> memref<1x100000x64xf32, #tpu.memory_space<hbm>>
      %dma_wait3A_17 = tpu.memref_squeeze %dma_wait3A_16 : memref<1x100000x64xf32, #tpu.memory_space<hbm>> -> memref<100000x64xf32, #tpu.memory_space<hbm>>
      %dma_wait3A_18 = arith.constant 0 : i32
      %dma_wait3A_19 = arith.constant 0 : i32
      %dma_wait3A_20 = tpu.memref_slice %dma_wait3A_17[%dma_wait3A_18, %dma_wait3A_19] : memref<100000x64xf32, #tpu.memory_space<hbm>> -> memref<100000x64xf32, #tpu.memory_space<hbm>>
      tpu.wait_indirect_dma semaphore(%arg7 : memref<!tpu.dma_semaphore, #tpu.memory_space<semaphore_mem>>) src(%dma_wait3A_20 : memref<100000x64xf32, #tpu.memory_space<hbm>>) dst(%arg6 : memref<128x64xf32, #tpu.memory_space<vmem>>)
      "tpu.region"() ({
        %run_scoped3A = tpu.sem_alloc : memref<!tpu.dma_semaphore, #tpu.memory_space<semaphore_mem>>
        %dma_start3A_21 = arith.constant 0 : i32
        %dma_start3A_22 = tpu.memref_slice %arg4[%scan3A_8, %mul3A_2, %dma_start3A_21] : memref<26x4096x64xf32, #tpu.memory_space<hbm>> -> memref<1x128x64xf32, #tpu.memory_space<hbm>>
        %dma_start3A_23 = tpu.memref_squeeze %dma_start3A_22 : memref<1x128x64xf32, #tpu.memory_space<hbm>> -> memref<128x64xf32, #tpu.memory_space<hbm>>
        %dma_start3A_24 = arith.constant 0 : i32
        %dma_start3A_25 = tpu.memref_slice %arg4[%scan3A_8, %mul3A_2, %dma_start3A_24] : memref<26x4096x64xf32, #tpu.memory_space<hbm>> -> memref<1x128x64xf32, #tpu.memory_space<hbm>>
        %dma_start3A_26 = tpu.memref_squeeze %dma_start3A_25 : memref<1x128x64xf32, #tpu.memory_space<hbm>> -> memref<128x64xf32, #tpu.memory_space<hbm>>
        tpu.enqueue_dma source(%arg6 : memref<128x64xf32, #tpu.memory_space<vmem>>) target(%dma_start3A_26 : memref<128x64xf32, #tpu.memory_space<hbm>>) target_semaphore(%run_scoped3A : memref<!tpu.dma_semaphore, #tpu.memory_space<semaphore_mem>>)
        %dma_wait3A_27 = arith.constant 0 : i32
        %dma_wait3A_28 = tpu.memref_slice %arg4[%scan3A_8, %mul3A_2, %dma_wait3A_27] : memref<26x4096x64xf32, #tpu.memory_space<hbm>> -> memref<1x128x64xf32, #tpu.memory_space<hbm>>
        %dma_wait3A_29 = tpu.memref_squeeze %dma_wait3A_28 : memref<1x128x64xf32, #tpu.memory_space<hbm>> -> memref<128x64xf32, #tpu.memory_space<hbm>>
        %dma_wait3A_30 = arith.constant 0 : i32
        %dma_wait3A_31 = tpu.memref_slice %arg4[%scan3A_8, %mul3A_2, %dma_wait3A_30] : memref<26x4096x64xf32, #tpu.memory_space<hbm>> -> memref<1x128x64xf32, #tpu.memory_space<hbm>>
        %dma_wait3A_32 = tpu.memref_squeeze %dma_wait3A_31 : memref<1x128x64xf32, #tpu.memory_space<hbm>> -> memref<128x64xf32, #tpu.memory_space<hbm>>
        tpu.wait_dma2 semaphore(%run_scoped3A : memref<!tpu.dma_semaphore, #tpu.memory_space<semaphore_mem>>) src(%arg6 : memref<128x64xf32, #tpu.memory_space<vmem>>) dst(%dma_wait3A_32 : memref<128x64xf32, #tpu.memory_space<hbm>>)
        tpu.yield
      }) : () -> ()
    }
    %scan3A_7 = arith.constant 26 : i32
    return
  }
}

module attributes {stable_mosaic.version = 14 : i64} {
  func.func @_tc_body(%arg0: i32, %arg1: memref<256x13xf32, #tpu.memory_space<vmem>>, %arg2: memref<26x256x64xf32, #tpu.memory_space<vmem>>, %arg3: memref<13x512xf32, #tpu.memory_space<vmem>>, %arg4: memref<512x256xf32, #tpu.memory_space<vmem>>, %arg5: memref<256x64xf32, #tpu.memory_space<vmem>>, %arg6: memref<1x512xf32, #tpu.memory_space<vmem>>, %arg7: memref<1x256xf32, #tpu.memory_space<vmem>>, %arg8: memref<1x64xf32, #tpu.memory_space<vmem>>, %arg9: memref<64x512xf32, #tpu.memory_space<vmem>>, %arg10: memref<729x512xf32, #tpu.memory_space<vmem>>, %arg11: memref<1x512xf32, #tpu.memory_space<vmem>>, %arg12: memref<512x256xf32, #tpu.memory_space<vmem>>, %arg13: memref<1x256xf32, #tpu.memory_space<vmem>>, %arg14: memref<256x1xf32, #tpu.memory_space<vmem>>, %arg15: memref<1x1xf32, #tpu.memory_space<vmem>>, %arg16: memref<256x1xf32, #tpu.memory_space<vmem>>) attributes {dimension_semantics = [#tpu.dimension_semantics<arbitrary>], iteration_bounds = array<i64: 16>, scalar_prefetch = 0 : i64, scratch_operands = 0 : i64, tpu.core_type = #tpu.core_type<tc>, window_params = [{transform_indices = @transform_0, window_bounds = array<i64: 256, 13>}, {transform_indices = @transform_1, window_bounds = array<i64: 26, 256, 64>}, {pipeline_mode = #tpu.pipeline_mode<synchronous>, transform_indices = @transform_2, window_bounds = array<i64: 13, 512>}, {pipeline_mode = #tpu.pipeline_mode<synchronous>, transform_indices = @transform_3, window_bounds = array<i64: 512, 256>}, {pipeline_mode = #tpu.pipeline_mode<synchronous>, transform_indices = @transform_4, window_bounds = array<i64: 256, 64>}, {pipeline_mode = #tpu.pipeline_mode<synchronous>, transform_indices = @transform_5, window_bounds = array<i64: 1, 512>}, {pipeline_mode = #tpu.pipeline_mode<synchronous>, transform_indices = @transform_6, window_bounds = array<i64: 1, 256>}, {pipeline_mode = #tpu.pipeline_mode<synchronous>, transform_indices = @transform_7, window_bounds = array<i64: 1, 64>}, {pipeline_mode = #tpu.pipeline_mode<synchronous>, transform_indices = @transform_8, window_bounds = array<i64: 64, 512>}, {pipeline_mode = #tpu.pipeline_mode<synchronous>, transform_indices = @transform_9, window_bounds = array<i64: 729, 512>}, {pipeline_mode = #tpu.pipeline_mode<synchronous>, transform_indices = @transform_10, window_bounds = array<i64: 1, 512>}, {pipeline_mode = #tpu.pipeline_mode<synchronous>, transform_indices = @transform_11, window_bounds = array<i64: 512, 256>}, {pipeline_mode = #tpu.pipeline_mode<synchronous>, transform_indices = @transform_12, window_bounds = array<i64: 1, 256>}, {pipeline_mode = #tpu.pipeline_mode<synchronous>, transform_indices = @transform_13, window_bounds = array<i64: 256, 1>}, {pipeline_mode = #tpu.pipeline_mode<synchronous>, transform_indices = @transform_14, window_bounds = array<i64: 1, 1>}, {transform_indices = @transform_15, window_bounds = array<i64: 256, 1>}]} {
    %get3A = arith.constant 0 : index
    %get3A_0 = arith.constant 0 : index
    %get3A_1 = vector.load %arg1[%get3A, %get3A_0] : memref<256x13xf32, #tpu.memory_space<vmem>>, vector<256x13xf32>
    %get3A_2 = arith.constant 0 : index
    %get3A_3 = arith.constant 0 : index
    %get3A_4 = vector.load %arg3[%get3A_2, %get3A_3] : memref<13x512xf32, #tpu.memory_space<vmem>>, vector<13x512xf32>
    %dot_general3A = arith.constant dense<0.000000e+00> : vector<256x512xf32>
    %dot_general3A_5 = tpu.matmul %get3A_1, %get3A_4, %dot_general3A {dimension_numbers = #tpu.dot_dimension_numbers<[1], [0], [0], [1], [0, 0, 1, 1], [], []>, transpose_lhs_hint = false} : vector<256x13xf32>, vector<13x512xf32>, vector<256x512xf32> -> vector<256x512xf32>
    %get3A_6 = arith.constant 0 : index
    %get3A_7 = arith.constant 0 : index
    %get3A_8 = vector.load %arg6[%get3A_6, %get3A_7] : memref<1x512xf32, #tpu.memory_space<vmem>>, vector<1x512xf32>
    %add3A = vector.broadcast %get3A_8 : vector<1x512xf32> to vector<256x512xf32>
    %add3A_9 = arith.addf %dot_general3A_5, %add3A : vector<256x512xf32>
    %max3A = arith.constant 0.000000e+00 : f32
    %max3A_10 = vector.broadcast %max3A : f32 to vector<256x512xf32>
    %max3A_11 = arith.maximumf %add3A_9, %max3A_10 : vector<256x512xf32>
    %get3A_12 = arith.constant 0 : index
    %get3A_13 = arith.constant 0 : index
    %get3A_14 = vector.load %arg4[%get3A_12, %get3A_13] : memref<512x256xf32, #tpu.memory_space<vmem>>, vector<512x256xf32>
    %dot_general3A_15 = arith.constant dense<0.000000e+00> : vector<256x256xf32>
    %dot_general3A_16 = tpu.matmul %max3A_11, %get3A_14, %dot_general3A_15 {dimension_numbers = #tpu.dot_dimension_numbers<[1], [0], [0], [1], [0, 0, 1, 1], [], []>, transpose_lhs_hint = false} : vector<256x512xf32>, vector<512x256xf32>, vector<256x256xf32> -> vector<256x256xf32>
    %get3A_17 = arith.constant 0 : index
    %get3A_18 = arith.constant 0 : index
    %get3A_19 = vector.load %arg7[%get3A_17, %get3A_18] : memref<1x256xf32, #tpu.memory_space<vmem>>, vector<1x256xf32>
    %add3A_20 = vector.broadcast %get3A_19 : vector<1x256xf32> to vector<256x256xf32>
    %add3A_21 = arith.addf %dot_general3A_16, %add3A_20 : vector<256x256xf32>
    %max3A_22 = arith.constant 0.000000e+00 : f32
    %max3A_23 = vector.broadcast %max3A_22 : f32 to vector<256x256xf32>
    %max3A_24 = arith.maximumf %add3A_21, %max3A_23 : vector<256x256xf32>
    %get3A_25 = arith.constant 0 : index
    %get3A_26 = arith.constant 0 : index
    %get3A_27 = vector.load %arg5[%get3A_25, %get3A_26] : memref<256x64xf32, #tpu.memory_space<vmem>>, vector<256x64xf32>
    %dot_general3A_28 = arith.constant dense<0.000000e+00> : vector<256x64xf32>
    %dot_general3A_29 = tpu.matmul %max3A_24, %get3A_27, %dot_general3A_28 {dimension_numbers = #tpu.dot_dimension_numbers<[1], [0], [0], [1], [0, 0, 1, 1], [], []>, transpose_lhs_hint = false} : vector<256x256xf32>, vector<256x64xf32>, vector<256x64xf32> -> vector<256x64xf32>
    %get3A_30 = arith.constant 0 : index
    %get3A_31 = arith.constant 0 : index
    %get3A_32 = vector.load %arg8[%get3A_30, %get3A_31] : memref<1x64xf32, #tpu.memory_space<vmem>>, vector<1x64xf32>
    %add3A_33 = vector.broadcast %get3A_32 : vector<1x64xf32> to vector<256x64xf32>
    %add3A_34 = arith.addf %dot_general3A_29, %add3A_33 : vector<256x64xf32>
    %max3A_35 = arith.constant 0.000000e+00 : f32
    %max3A_36 = vector.broadcast %max3A_35 : f32 to vector<256x64xf32>
    %max3A_37 = arith.maximumf %add3A_34, %max3A_36 : vector<256x64xf32>
    %broadcast_in_dim3A = vector.shape_cast %max3A_37 : vector<256x64xf32> to vector<1x256x64xf32>
    %get3A_38 = arith.constant 0 : index
    %get3A_39 = arith.constant 0 : index
    %get3A_40 = arith.constant 0 : index
    %get3A_41 = vector.load %arg2[%get3A_38, %get3A_39, %get3A_40] : memref<26x256x64xf32, #tpu.memory_space<vmem>>, vector<26x256x64xf32>
    %concatenate3A = tpu.concatenate %broadcast_in_dim3A, %get3A_41 in 0 : vector<1x256x64xf32>, vector<26x256x64xf32> -> vector<27x256x64xf32>
    %dot_general3A_42 = arith.constant dense<0.000000e+00> : vector<256x27x27xf32>
    %dot_general3A_43 = tpu.matmul %concatenate3A, %concatenate3A, %dot_general3A_42 {dimension_numbers = #tpu.dot_dimension_numbers<[2], [2], [0], [0], [0, 1, 0, 0, 1, 0], [1], [1]>, transpose_lhs_hint = false} : vector<27x256x64xf32>, vector<27x256x64xf32>, vector<256x27x27xf32> -> vector<256x27x27xf32>
    %reshape3A = vector.shape_cast %dot_general3A_43 : vector<256x27x27xf32> to vector<256x729xf32>
    %get3A_44 = arith.constant 0 : index
    %get3A_45 = arith.constant 0 : index
    %get3A_46 = vector.load %arg9[%get3A_44, %get3A_45] : memref<64x512xf32, #tpu.memory_space<vmem>>, vector<64x512xf32>
    %dot_general3A_47 = arith.constant dense<0.000000e+00> : vector<256x512xf32>
    %dot_general3A_48 = tpu.matmul %max3A_37, %get3A_46, %dot_general3A_47 {dimension_numbers = #tpu.dot_dimension_numbers<[1], [0], [0], [1], [0, 0, 1, 1], [], []>, transpose_lhs_hint = false} : vector<256x64xf32>, vector<64x512xf32>, vector<256x512xf32> -> vector<256x512xf32>
    %get3A_49 = arith.constant 0 : index
    %get3A_50 = arith.constant 0 : index
    %get3A_51 = vector.load %arg10[%get3A_49, %get3A_50] : memref<729x512xf32, #tpu.memory_space<vmem>>, vector<729x512xf32>
    %dot_general3A_52 = arith.constant dense<0.000000e+00> : vector<256x512xf32>
    %dot_general3A_53 = tpu.matmul %reshape3A, %get3A_51, %dot_general3A_52 {dimension_numbers = #tpu.dot_dimension_numbers<[1], [0], [0], [1], [0, 0, 1, 1], [], []>, transpose_lhs_hint = false} : vector<256x729xf32>, vector<729x512xf32>, vector<256x512xf32> -> vector<256x512xf32>
    %add3A_54 = arith.addf %dot_general3A_48, %dot_general3A_53 : vector<256x512xf32>
    %get3A_55 = arith.constant 0 : index
    %get3A_56 = arith.constant 0 : index
    %get3A_57 = vector.load %arg11[%get3A_55, %get3A_56] : memref<1x512xf32, #tpu.memory_space<vmem>>, vector<1x512xf32>
    %add3A_58 = vector.broadcast %get3A_57 : vector<1x512xf32> to vector<256x512xf32>
    %add3A_59 = arith.addf %add3A_54, %add3A_58 : vector<256x512xf32>
    %max3A_60 = arith.constant 0.000000e+00 : f32
    %max3A_61 = vector.broadcast %max3A_60 : f32 to vector<256x512xf32>
    %max3A_62 = arith.maximumf %add3A_59, %max3A_61 : vector<256x512xf32>
    %get3A_63 = arith.constant 0 : index
    %get3A_64 = arith.constant 0 : index
    %get3A_65 = vector.load %arg12[%get3A_63, %get3A_64] : memref<512x256xf32, #tpu.memory_space<vmem>>, vector<512x256xf32>
    %dot_general3A_66 = arith.constant dense<0.000000e+00> : vector<256x256xf32>
    %dot_general3A_67 = tpu.matmul %max3A_62, %get3A_65, %dot_general3A_66 {dimension_numbers = #tpu.dot_dimension_numbers<[1], [0], [0], [1], [0, 0, 1, 1], [], []>, transpose_lhs_hint = false} : vector<256x512xf32>, vector<512x256xf32>, vector<256x256xf32> -> vector<256x256xf32>
    %get3A_68 = arith.constant 0 : index
    %get3A_69 = arith.constant 0 : index
    %get3A_70 = vector.load %arg13[%get3A_68, %get3A_69] : memref<1x256xf32, #tpu.memory_space<vmem>>, vector<1x256xf32>
    %add3A_71 = vector.broadcast %get3A_70 : vector<1x256xf32> to vector<256x256xf32>
    %add3A_72 = arith.addf %dot_general3A_67, %add3A_71 : vector<256x256xf32>
    %max3A_73 = arith.constant 0.000000e+00 : f32
    %max3A_74 = vector.broadcast %max3A_73 : f32 to vector<256x256xf32>
    %max3A_75 = arith.maximumf %add3A_72, %max3A_74 : vector<256x256xf32>
    %get3A_76 = arith.constant 0 : index
    %get3A_77 = arith.constant 0 : index
    %get3A_78 = vector.load %arg14[%get3A_76, %get3A_77] : memref<256x1xf32, #tpu.memory_space<vmem>>, vector<256x1xf32>
    %dot_general3A_79 = arith.constant dense<0.000000e+00> : vector<256x1xf32>
    %dot_general3A_80 = tpu.matmul %max3A_75, %get3A_78, %dot_general3A_79 {dimension_numbers = #tpu.dot_dimension_numbers<[1], [0], [0], [1], [0, 0, 1, 1], [], []>, transpose_lhs_hint = false} : vector<256x256xf32>, vector<256x1xf32>, vector<256x1xf32> -> vector<256x1xf32>
    %get3A_81 = arith.constant 0 : index
    %get3A_82 = arith.constant 0 : index
    %get3A_83 = vector.load %arg15[%get3A_81, %get3A_82] : memref<1x1xf32, #tpu.memory_space<vmem>>, vector<1x1xf32>
    %add3A_84 = vector.broadcast %get3A_83 : vector<1x1xf32> to vector<256x1xf32>
    %add3A_85 = arith.addf %dot_general3A_80, %add3A_84 : vector<256x1xf32>
    %neg3A = arith.constant 0.000000e+00 : f32
    %neg3A_86 = vector.broadcast %neg3A : f32 to vector<256x1xf32>
    %neg3A_87 = arith.subf %neg3A_86, %add3A_85 : vector<256x1xf32>
    %exp3A = math.exp %neg3A_87 : vector<256x1xf32>
    %add3A_88 = arith.constant 1.000000e+00 : f32
    %add3A_89 = vector.broadcast %add3A_88 : f32 to vector<256x1xf32>
    %add3A_90 = arith.addf %add3A_89, %exp3A : vector<256x1xf32>
    %div3A = arith.constant 1.000000e+00 : f32
    %div3A_91 = vector.broadcast %div3A : f32 to vector<256x1xf32>
    %div3A_92 = arith.divf %div3A_91, %add3A_90 : vector<256x1xf32>
    %swap3A = arith.constant 0 : index
    %swap3A_93 = arith.constant 0 : index
    %swap3A_94 = vector.load %arg16[%swap3A, %swap3A_93] : memref<256x1xf32, #tpu.memory_space<vmem>>, vector<256x1xf32>
    tpu.vector_store %arg16[%swap3A, %swap3A_93], %div3A_92 {strides = array<i32>} : memref<256x1xf32, #tpu.memory_space<vmem>>, vector<256x1xf32>,
    return
  }
  func.func @transform_0(%arg0: i32) -> (i32, i32) {
    %c0_i32 = arith.constant 0 : i32
    %c0_i32_0 = arith.constant 0 : i32
    return %arg0, %c0_i32 : i32, i32
  }
  func.func @transform_1(%arg0: i32) -> (i32, i32, i32) {
    %c0_i32 = arith.constant 0 : i32
    %c0_i32_0 = arith.constant 0 : i32
    %c0_i32_1 = arith.constant 0 : i32
    return %c0_i32, %arg0, %c0_i32_0 : i32, i32, i32
  }
  func.func @transform_2(%arg0: i32) -> (i32, i32) {
    %c0_i32 = arith.constant 0 : i32
    %c0_i32_0 = arith.constant 0 : i32
    %c0_i32_1 = arith.constant 0 : i32
    return %c0_i32, %c0_i32_0 : i32, i32
  }
  func.func @transform_3(%arg0: i32) -> (i32, i32) {
    %c0_i32 = arith.constant 0 : i32
    %c0_i32_0 = arith.constant 0 : i32
    %c0_i32_1 = arith.constant 0 : i32
    return %c0_i32, %c0_i32_0 : i32, i32
  }
  func.func @transform_4(%arg0: i32) -> (i32, i32) {
    %c0_i32 = arith.constant 0 : i32
    %c0_i32_0 = arith.constant 0 : i32
    %c0_i32_1 = arith.constant 0 : i32
    return %c0_i32, %c0_i32_0 : i32, i32
  }
  func.func @transform_5(%arg0: i32) -> (i32, i32) {
    %c0_i32 = arith.constant 0 : i32
    %c0_i32_0 = arith.constant 0 : i32
    %c0_i32_1 = arith.constant 0 : i32
    return %c0_i32, %c0_i32_0 : i32, i32
  }
  func.func @transform_6(%arg0: i32) -> (i32, i32) {
    %c0_i32 = arith.constant 0 : i32
    %c0_i32_0 = arith.constant 0 : i32
    %c0_i32_1 = arith.constant 0 : i32
    return %c0_i32, %c0_i32_0 : i32, i32
  }
  func.func @transform_7(%arg0: i32) -> (i32, i32) {
    %c0_i32 = arith.constant 0 : i32
    %c0_i32_0 = arith.constant 0 : i32
    %c0_i32_1 = arith.constant 0 : i32
    return %c0_i32, %c0_i32_0 : i32, i32
  }
  func.func @transform_8(%arg0: i32) -> (i32, i32) {
    %c0_i32 = arith.constant 0 : i32
    %c0_i32_0 = arith.constant 0 : i32
    %c0_i32_1 = arith.constant 0 : i32
    return %c0_i32, %c0_i32_0 : i32, i32
  }
  func.func @transform_9(%arg0: i32) -> (i32, i32) {
    %c0_i32 = arith.constant 0 : i32
    %c0_i32_0 = arith.constant 0 : i32
    %c0_i32_1 = arith.constant 0 : i32
    return %c0_i32, %c0_i32_0 : i32, i32
  }
  func.func @transform_10(%arg0: i32) -> (i32, i32) {
    %c0_i32 = arith.constant 0 : i32
    %c0_i32_0 = arith.constant 0 : i32
    %c0_i32_1 = arith.constant 0 : i32
    return %c0_i32, %c0_i32_0 : i32, i32
  }
  func.func @transform_11(%arg0: i32) -> (i32, i32) {
    %c0_i32 = arith.constant 0 : i32
    %c0_i32_0 = arith.constant 0 : i32
    %c0_i32_1 = arith.constant 0 : i32
    return %c0_i32, %c0_i32_0 : i32, i32
  }
  func.func @transform_12(%arg0: i32) -> (i32, i32) {
    %c0_i32 = arith.constant 0 : i32
    %c0_i32_0 = arith.constant 0 : i32
    %c0_i32_1 = arith.constant 0 : i32
    return %c0_i32, %c0_i32_0 : i32, i32
  }
  func.func @transform_13(%arg0: i32) -> (i32, i32) {
    %c0_i32 = arith.constant 0 : i32
    %c0_i32_0 = arith.constant 0 : i32
    %c0_i32_1 = arith.constant 0 : i32
    return %c0_i32, %c0_i32_0 : i32, i32
  }
  func.func @transform_14(%arg0: i32) -> (i32, i32) {
    %c0_i32 = arith.constant 0 : i32
    %c0_i32_0 = arith.constant 0 : i32
    %c0_i32_1 = arith.constant 0 : i32
    return %c0_i32, %c0_i32_0 : i32, i32
  }
  func.func @transform_15(%arg0: i32) -> (i32, i32) {
    %c0_i32 = arith.constant 0 : i32
    %c0_i32_0 = arith.constant 0 : i32
    return %arg0, %c0_i32 : i32, i32
  }
}

</mosaic_0001>

<sc_bundles>
// kernel: kernel.4.cloned.1.call-start
scs
__scs_entry_jumppad:
0x0: {  	(pc) =	sbr.rel $0x88, $3  }
0x1: {  	(tag) =	ssettag $0x0;
	lr =	simm.s32 $0x1  }
0x2: {  	[smem:$0x3F92] =	sst lr;
	_ =	strace $0xD0000000  }
0x3: {  	_ = 	snop  }
0x4: {  	_ = 	snop  }
0x5: {  	_ = 	snop  }
0x6: {  	_ = 	snop  }
0x7: {  	_ = 	snop  }
__scs_overlays_trampoline_lowered:
0x8: {  	[smem:$0x3FA1] =	sst s0  }
0x9: {  	[smem:$0x3FA2] =	sst s1  }
0xa: {  	[smem:$0x3FA3] =	sst s2  }
0xb: {  	[smem:$0x3FA4] =	sst s3  }
0xc: {  	[smem:$0x3FA5] =	sst s4  }
0xd: {  	[smem:$0x3FA6] =	sst s5  }
0xe: {  	[smem:$0x3FA7] =	sst s6  }
0xf: {  	[smem:$0x3FA8] =	sst s7  }
0x10: {  	[smem:$0x3FA9] =	sst s8  }
0x11: {  	[smem:$0x3FAA] =	sst s9;
	s0 =	simm.s32 @!p0 $0x0  }
0x12: {  	s1 =	sld [smem:$0x3F90];
	s0 =	simm.s32 @p0 $0x1  }
0x13: {  	[smem:$0x3FAB] =	sst s0;
	s0 =	simm.s32 @!p1 $0x0  }
0x14: {  	s2 =	sld [smem:$0x3F8F];
	s0 =	simm.s32 @p1 $0x1  }
0x15: {  	[smem:$0x3FAC] =	sst s0;
	s0 =	simm.s32 @!p2 $0x0  }
0x16: {  	s3 =	sld [smem:$0x3FDB];
	s0 =	simm.s32 @p2 $0x1  }
0x17: {  	s4 =	simm.s32 $0x1BF5;
	[smem:$0x3FAE] =	sst s0  }
0x18: {  	s0 =	sld [smem:$0x3F91];
	_ =	swait.ge [sflag:s4], $0x0  }
0x19: {  	s7 =	sld [smem:$0x3F92]  }
0x1a: {  	s8 =	sadd.s32 $0xFFFFE003, lr  }
0x1b: {  	s9 =	sadd.s32 $0xFFFFFEF7, lr;
	s5 =	simm.s32 $0xFFFFFFFF;
	p2 =	slt.u32 s8, $0xFFFFF086  }
0x1c: {  	p1 =	slt.u32 s9, $0xF7A;
	s5 =	simm.s32 @!p2 $0x0  }
0x1d: {  	s5 =	simm.s32 @p1 $0x1;
	p0 =	seq.s32 s7, s2  }
0x1e: {  	s7 =	smul.u32 @!p0 $0xF7A, s2;
	p2 =	seq.s32 @!p0 s5, $0x0  }
0x1f: {  	s9 =	smul.u32 $0xF7A, s1;
	s8 =	simm.s32 @!p0 $0x1BF5;
	p2 =	por !p2, p0  }
0x20: {  	[sflag:s8] =	ssyncset.s32 @!p0 $0xFFFFF086;
	s6 =	sadd.s32 @!p0 s3, s7;
	s7 =	simm.s32 @!p0 $0x108  }
0x21: {  	s3 =	sadd.s32 s3, s9;
	s6 =	sadd.s32 @!p0 $0x88, s6;
	s7 =	simm.s32 @p2 $0x1082  }
0x22: {  	[simem:s7], [sflag:s8] =	dma.local @!p0 [hbm:s6], $0xF7A  }
0x23: {  	s9 =	sor.u32 $0xD0000000, s2;
	s6 =	simm.s32 $0x108;
	_ =	swait.ge @!p0 [sflag:s8], $0x0  }
0x24: {  	s3 =	sadd.s32 $0x88, s3;
	s6 =	simm.s32 @!p1 $0x1082;
	[sflag:s4] =	ssyncset.s32 $0xFFFFF086  }
0x25: {  	[simem:s6], [sflag:s4] =	dma.local [hbm:s3], $0xF7A  }
0x26: {  	[smem:$0x3F92] =	sst s1;
	(tag) =	ssettag s2;
	_ =	strace s9  }
0x27: {  	s1 =	sld [smem:$0x3FA2]  }
0x28: {  	s2 =	sld [smem:$0x3FA3]  }
0x29: {  	s4 =	sld [smem:$0x3FA5]  }
0x2a: {  	p0 =	seq.s32 s5, $0x0;
	s5 =	sld [smem:$0x3FA6]  }
0x2b: {  	s6 =	sld [smem:$0x3FA7]  }
0x2c: {  	s7 =	sld [smem:$0x3FA8]  }
0x2d: {  	s3 =	simm.s32 $0x108;
	s8 =	sld [smem:$0x3FA9]  }
0x2e: {  	s3 =	simm.s32 @!p0 $0x1082;
	s9 =	sld [smem:$0x3FAA]  }
0x2f: {  	lr =	sadd.s32 s0, s3;
	s0 =	sld [smem:$0x3FA1]  }
0x30: {  	s3 =	sld [smem:$0x3FA4]  }
0x31: {  	[smem:$0x3FAD] =	sst s10  }
0x32: {  	s10 =	sld [smem:$0x3FAB];
	_ =	sdelay $0x3  }
0x33: {  	p0 =	seq.s32 s10, $0x1;
	s10 =	sld [smem:$0x3FAD];
	_ =	sdelay $0x3  }
0x34: {  	[smem:$0x3FAD] =	sst s10  }
0x35: {  	s10 =	sld [smem:$0x3FAC];
	_ =	sdelay $0x3  }
0x36: {  	p1 =	seq.s32 s10, $0x1;
	s10 =	sld [smem:$0x3FAD];
	_ =	sdelay $0x3  }
0x37: {  	[smem:$0x3FAD] =	sst s10  }
0x38: {  	s10 =	sld [smem:$0x3FAE]  }
0x39: {  	_ = 	snop;
	(pc) =	sbr.ind lr, $3  }
0x3a: {  	_ = 	snop  }
0x3b: {  	_ = 	snop  }
0x3c: {  	p2 =	seq.s32 s10, $0x1;
	s10 =	sld [smem:$0x3FAD]  }
0x3d: {  	_ =	shalt  }
0x3e: {  	_ =	shalt  }
0x3f: {  	_ =	shalt  }
0x40: {  	_ =	shalt  }
0x41: {  	_ =	shalt  }
0x42: {  	_ =	shalt  }
0x43: {  	_ =	shalt  }
0x44: {  	_ =	shalt  }
0x45: {  	_ =	shalt  }
0x46: {  	_ =	shalt  }
0x47: {  	_ =	shalt  }
0x48: {  	_ =	shalt  }
0x49: {  	_ =	shalt  }
0x4a: {  	_ =	shalt  }
0x4b: {  	_ =	shalt  }
0x4c: {  	_ =	shalt  }
0x4d: {  	_ =	shalt  }
0x4e: {  	_ =	shalt  }
0x4f: {  	_ =	shalt  }
0x50: {  	_ =	shalt  }
0x51: {  	_ =	shalt  }
0x52: {  	_ =	shalt  }
0x53: {  	_ =	shalt  }
0x54: {  	_ =	shalt  }
0x55: {  	_ =	shalt  }
0x56: {  	_ =	shalt  }
0x57: {  	_ =	shalt  }
0x58: {  	_ =	shalt  }
0x59: {  	_ =	shalt  }
0x5a: {  	_ =	shalt  }
0x5b: {  	_ =	shalt  }
0x5c: {  	_ =	shalt  }
0x5d: {  	_ =	shalt  }
0x5e: {  	_ =	shalt  }
0x5f: {  	_ =	shalt  }
0x60: {  	_ =	shalt  }
0x61: {  	_ =	shalt  }
0x62: {  	_ =	shalt  }
0x63: {  	_ =	shalt  }
0x64: {  	_ =	shalt  }
0x65: {  	_ =	shalt  }
0x66: {  	_ =	shalt  }
0x67: {  	_ =	shalt  }
0x68: {  	_ =	shalt  }
0x69: {  	_ =	shalt  }
0x6a: {  	_ =	shalt  }
0x6b: {  	_ =	shalt  }
0x6c: {  	_ =	shalt  }
0x6d: {  	_ =	shalt  }
0x6e: {  	_ =	shalt  }
0x6f: {  	_ =	shalt  }
0x70: {  	_ =	shalt  }
0x71: {  	_ =	shalt  }
0x72: {  	_ =	shalt  }
0x73: {  	_ =	shalt  }
0x74: {  	_ =	shalt  }
0x75: {  	_ =	shalt  }
0x76: {  	_ =	shalt  }
0x77: {  	_ =	shalt  }
0x78: {  	_ =	shalt  }
0x79: {  	_ =	shalt  }
0x7a: {  	_ =	shalt  }
0x7b: {  	_ =	shalt  }
0x7c: {  	_ =	shalt  }
0x7d: {  	_ =	shalt  }
0x7e: {  	_ =	shalt  }
0x7f: {  	_ =	shalt  }
0x80: {  	_ =	shalt  }
0x81: {  	_ =	shalt  }
0x82: {  	_ =	shalt  }
0x83: {  	_ =	shalt  }
0x84: {  	_ =	shalt  }
0x85: {  	_ =	shalt  }
0x86: {  	_ =	shalt  }
0x87: {  	_ =	shalt  }
.Lfunc_end0:
.L_simem_size_0:
called_computation_lowered:
.L_overlay_start_0:
0x88: {  	s2 =	sld [smem:$0x3FD9]  }
0x89: {  	s3 =	sld [smem:$0x3FFE];
	_ =	sdelay $0x1  }
0x8a: {  	s1 =	srdreg.scid  }
0x8b: {  	s0 =	sand.u32 $0x1, s1  }
0x8c: {  	s16 =	sshll.u32 s0, $0xA;
	s2 =	sadd.s32 s3, s2  }
0x8d: {  	s2 =	sadd.s32 s2, s16  }
0x8e: {  	[smem:$0x3FB9] =	sst s2  }
0x8f: {  	_ = 	snop  }
0x90: {  	(tm) =	ssettm $0x1  }
0x91: {  	s17 =	sld [smem:$0x3FFB];
	_ =	sdelay $0x3  }
0x92: {  	_ =	strace s17  }
0x93: {  	s2 =	sld [smem:$0x3FFC];
	_ =	sdelay $0x3  }
0x94: {  	_ =	strace s2  }
0x95: {  	s2 =	sld [smem:$0x3FFD];
	_ =	sdelay $0x3  }
0x96: {  	_ =	strace s2  }
0x97: {  	_ =	strace $0x8FFFFFFF  }
0x98: {  	s18 =	sld [smem:$0x3FDB];
	_ =	sdelay $0x1  }
0x99: {  	s19 =	simm.s32 $_scs_section_size  }
0x9a: {  	s4 =	simm.s32 $_size__tile_overlayer_lowered;
	s5 =	simm.s32 $_tile_overlayer_lowered  }
0x9b: {  	s22 =	simm.s32 $0x1BFF;
	s21 =	sshll.u32 s5, $0x1;
	s2 =	sadd.s32 s19, s18  }
0x9c: {  	s6 =	simm.s32 $0x0;
	s20 =	sshll.u32 s4, $0x1;
	s4 =	sadd.s32 s21, s2  }
0x9d: {  	[timem:s6], [sflag:s22] =	dma.local [hbm:s4], s20  }
0x9e: {  	_ =	swait.ge [sflag:s22], s20  }
0x9f: {  	s3 =	ssub.s32 $0x0, s20;
	[sflag:s22] =	ssyncset.done $0x0  }
0xa0: {  	[sflag:s22] =	ssyncadd.s32 s3;
	_ =	sdelay $0x1  }
0xa1: {  	s23 =	simm.s32 $0x1B8B  }
0xa2: {  	_ =	swait.ge [sflag:s23], $0x1  }
0xa3: {  	[sflag:s23] =	ssyncset.done $0x0  }
0xa4: {  	s25 =	simm.s32 $0x1B8E;
	s24 =	sld [smem:$0x3FFE];
	[sflag:s23] =	ssyncadd.s32 $0xFFFFFFFF  }
0xa5: {  	s26 =	simm.s32 $execute0_lowered;
	[smem:$0x3FD2] =	sst s25  }
0xa6: {  	s4 =	sshll.u32 s26, $0x1;
	_ =	strace $0x80000046;
	[dreg:$0x1] =	wrdreg $0xFFFFFFFF  }
0xa7: {  	s28 =	simm.s32 $_size_execute0_lowered;
	s2 =	sadd.s32 s2, s4;
	[dreg:$0x0] =	wrdreg $0x0  }
0xa8: {  	s4 =	sshll.u32 s28, $0x1;
	[dreg:$0x2] =	wrdreg s2  }
0xa9: {  	[dreg:$0x3] =	wrdreg s4  }
0xaa: {  	[dreg:$0x4] =	wrdreg $0xC0  }
0xab: {  	_ =	task [dreg:s6], $0x5FFFF  }
0xac: {  	[dreg:$0x1] =	wrdreg $0xFFFFFFFF  }
0xad: {  	[dreg:$0x0] =	wrdreg $0x60  }
0xae: {  	[dreg:$0x2] =	wrdreg s24  }
0xaf: {  	[dreg:$0x3] =	wrdreg $0x9  }
0xb0: {  	_ =	task.clear_ibuf [dreg:s6], $0x4FFFF;
	_ =	strace $0x90000046  }
0xb1: {  	s29 =	simm.s32 $0x9;
	_ =	strace $0x80000048  }
0xb2: {  	_ =	swait.ge [sflag:s29], $0x1  }
0xb3: {  	[sflag:s29] =	ssyncadd.s32 $0xFFFFFFFF  }
0xb4: {  	_ =	strace $0x90000048  }
0xb5: {  	_ =	sfence  }
0xb6: {  	s30 =	sld [smem:$0x0];
	_ =	sdelay $0x2  }
0xb7: {  	s31 =	sshll.u32 s1, $0xD;
	s1 =	sshrl.u32 s1, $0x2  }
0xb8: {  	s3 =	sand.u32 $0x4000, s31;
	s1 =	sadd.s32 s1, s30  }
0xb9: {  	s0 =	sor.u32 s3, s0;
	s1 =	sshll.u32 s1, $0x11  }
0xba: {  	s0 =	sor.u32 s1, s0  }
0xbb: {  	s0 =	sadd.s32 $0x8F2B, s0  }
0xbc: {  	[sflag:s0] =	ssyncadd.remote.s32 $0x1  }
0xbd: {  	_ =	sfence.sel $0xFFFF  }
0xbe: {  	[dreg:$0x0] =	wrdreg $0xFFFFFFFF;
	(pc) =	sbr.abs _section_cstart, $3  }
0xbf: {  	[dreg:$0x1] =	wrdreg $0xFFFFFFFF  }
0xc0: {  	_ =	task.clear_ibuf [dreg:s6], $0x2FFFF;
	_ =	strace $0x9FFFFFFF  }
0xc1: {  	(tm) =	ssettm $0x7FFFFFFF  }
tec
execute0_lowered:
.L_overlay_start_1:
0x0: {  	(tag) =	ssettag $0x1  }
0x1: {  	s4 =	rddreg [dreg:$0x0]  }
0x2: {  	s0 =	rddreg [dreg:$0x1];
	s2 =	simm.s32 $0x0;
	s3 =	srdreg.scid  }
0x3: {  	s1 =	stileid.u32;
	s10 =	simm.s32 $0x0;
	[smem:$0x7FF] =	sst s2  }
0x4: {  	s5 =	sand.u32 $0x1, s3;
	s6 =	sshll.u32 s1, $0x8;
	s3 =	sadd.s32 $0x27AE000, s4  }
0x5: {  	s8 =	sshll.u32 s1, $0xB;
	_ =	strace $0x80000047;
	s7 =	sshll.u32 s5, $0x7  }
0x6: {  	s31 =	ssub.s32 $0x2, s5;
	s8 =	sadd.s32 s8, s4;
	s5 =	sshll.u32 s5, $0xA  }
0x7: {  	s6 =	sor.u32 s7, s6;
	s9 =	sshrl.u32 s31, $0x1;
	s5 =	sadd.s32 s5, s8  }
0x8: {  	s8 =	simm.s32 $0x80;
	s6 =	sshrl.u32 s6, $0x3;
	s7 =	ssub.s32 s31, s9  }
0x9: {  	s5 =	sadd.s32 $0x5000, s5;
	s9 =	simm.s32 $0x1;
	s6 =	sadd.s32 s6, s4  }
0xa: {  	s4 =	smax.u32 s7, $0x1;
	s7 =	simm.s32 $0x2;
	s6 =	sadd.s32 $0x1C00, s6  }
.LBB2_1:
0xb: {  	s11 =	sadd.s32 $0x0, s6  }
0xc: {  	[tilespmem:s2], [sflag:$0x2] =	stream.linear.gather [hbm4b:s11+s2], $0x80, $0x38;
	[tilespmem:$0x2080] =	vst v63  }
0xd: {  	_ =	swait.ge [sflag:s7], $0x80  }
0xe: {  	[sflag:s7] =	ssyncset.done $0x0  }
0xf: {  	[sflag:s7] =	ssyncadd.s32 $0xFFFFFF80  }
0x10: {  	[tilespmem:s8], [sflag:$0x1] =	stream.indirect.gather [hbm4b:s3+s8], $0x40, s2, s8, $0xb8;
	[tilespmem:$0x2080] =	vst v63  }
0x11: {  	_ =	swait.ge [sflag:s9], $0x2000  }
0x12: {  	[sflag:s9] =	ssyncset.done $0x0  }
0x13: {  	[sflag:s9] =	ssyncadd.s32 $0xFFFFE000  }
0x14: {  	[hbm4b:s5+s2] =	stream.linear.scatter [tilespmem:s8], [sflag:$0x2], $0x2000, $0x38;
	[tilespmem:$0x2080] =	vst v63  }
0x15: {  	s13 =	simm.s32 $0x200;
	s14 =	simm.s32 $0x400;
	_ =	swait.ge [sflag:s7], $0x2000  }
0x16: {  	s12 =	sadd.s32 $0xC3500, s3;
	s11 =	sadd.s32 $0x8000, s5;
	[sflag:s7] =	ssyncset.done $0x0  }
.LBB2_2:
0x17: {  	s15 =	sadd.s32 s13, s6  }
0x18: {  	[sflag:s7] =	ssyncadd.s32 $0xFFFFE000;
	s13 =	smov.u32 s14;
	s16 =	sadd.s32 $0x200, s14  }
0x19: {  	[tilespmem:s2], [sflag:$0x2] =	stream.linear.gather [hbm4b:s15+s2], $0x80, $0x38;
	[tilespmem:$0x2080] =	vst v63  }
0x1a: {  	p0 =	sne.s32 s14, $0x3200;
	_ =	swait.ge [sflag:s7], $0x80  }
0x1b: {  	[sflag:s7] =	ssyncset.done $0x0  }
0x1c: {  	[sflag:s7] =	ssyncadd.s32 $0xFFFFFF80  }
0x1d: {  	[tilespmem:s8], [sflag:$0x1] =	stream.indirect.gather [hbm4b:s12+s8], $0x40, s2, s8, $0xb8;
	[tilespmem:$0x2080] =	vst v63  }
0x1e: {  	_ =	swait.ge [sflag:s9], $0x2000  }
.Ltmp0:
0x1f: {  	[sflag:s9] =	ssyncset.done $0x0;
	(pc) =	sbr.rel @p0 .LBB2_2-.Ltmp0, $4  }
0x20: {  	[sflag:s9] =	ssyncadd.s32 $0xFFFFE000  }
0x21: {  	[hbm4b:s11+s2] =	stream.linear.scatter [tilespmem:s8], [sflag:$0x2], $0x2000, $0x38;
	[tilespmem:$0x2080] =	vst v63  }
0x22: {  	s14 =	smov.u32 s16;
	_ =	swait.ge [sflag:s7], $0x2000  }
0x23: {  	s12 =	sadd.s32 $0xC3500, s12;
	s11 =	sadd.s32 $0x8000, s11;
	[sflag:s7] =	ssyncset.done $0x0  }
0x24: {  	s13 =	sadd.s32 s13, s6;
	[sflag:s7] =	ssyncadd.s32 $0xFFFFE000  }
0x25: {  	[tilespmem:s2], [sflag:$0x2] =	stream.linear.gather [hbm4b:s13+s2], $0x80, $0x38;
	[tilespmem:$0x2080] =	vst v63  }
0x26: {  	_ =	swait.ge [sflag:s7], $0x80  }
0x27: {  	[sflag:s7] =	ssyncset.done $0x0  }
0x28: {  	[sflag:s7] =	ssyncadd.s32 $0xFFFFFF80  }
0x29: {  	[tilespmem:s8], [sflag:$0x1] =	stream.indirect.gather [hbm4b:s12+s8], $0x40, s2, s8, $0xb8;
	[tilespmem:$0x2080] =	vst v63  }
0x2a: {  	s10 =	sadd.s32 $0x1, s10;
	_ =	swait.ge [sflag:s9], $0x2000  }
0x2b: {  	p0 =	sne.s32 s10, s4;
	[sflag:s9] =	ssyncset.done $0x0  }
.Ltmp1:
0x2c: {  	[sflag:s9] =	ssyncadd.s32 $0xFFFFE000;
	(pc) =	sbr.rel @p0 .LBB2_1-.Ltmp1, $4  }
0x2d: {  	[hbm4b:s11+s2] =	stream.linear.scatter [tilespmem:s8], [sflag:$0x2], $0x2000, $0x38;
	[tilespmem:$0x2080] =	vst v63  }
0x2e: {  	_ =	swait.ge [sflag:s7], $0x2000  }
0x2f: {  	[sflag:s7] =	ssyncset.done $0x0  }
0x30: {  	[sflag:s7] =	ssyncadd.s32 $0xFFFFE000  }
0x31: {  	_ =	sfence.sel $0x180000  }
0x32: {  	[bflag:$0x0] =	sbarrier.arrive $0xFFFF  }
0x33: {  	p0 =	sne.s32 s1, $0x0;
	_ =	strace $0x90000047  }
0x34: {  	s0 =	sadd.s32 @!p0 $0x100000, s0;
	[bflag:$0x2] =	sbarrier.arrive $0xFFFF  }
0x35: {  	[sflag:s0] =	ssyncadd.tile.s32 @!p0 $0x1;
	_ =	shalt  }
.Lfunc_end2:
_tile_overlayer_lowered:
.L_overlay_start_2:
0x36: {  	(tag) =	ssettag $0x2  }
0x37: {  	s0 =	rddreg [dreg:$0x0];
	s2 =	stileid.u32  }
0x38: {  	s1 =	rddreg [dreg:$0x1];
	p0 =	sne.s32 s2, $0x0  }
0x39: {  	s3 =	rddreg [dreg:$0x2];
	[bflag:$0x3] =	sbarrier.arrive $0xFFFF;
	s2 =	simm.s32 @!p0 $0x1C02  }
0x3a: {  	[timem:s3], [sflag:s2] =	dma.local @!p0 [hbm:s0], s1  }
0x3b: {  	s0 =	simm.s32 @!p0 $0x2  }
0x3c: {  	_ =	swait.ge @!p0 [sflag:s0], s1  }
0x3d: {  	s1 =	ssub.s32 @!p0 $0x0, s1;
	[sflag:s0] =	ssyncset.done @!p0 $0x0  }
0x3e: {  	[sflag:s0] =	ssyncadd.s32 @!p0 s1  }
0x3f: {  	[bflag:$0x3] =	sbarrier.arrive $0xFFFF  }
0x40: {  	_ =	shalt  }

</sc_bundles>
